<compile_context>
chip_gen: v7x
topology: tpu7x:2x2x1
jax: 0.10.2.dev20260603
libtpu: 0.0.44.dev20260713+nightly
codegen_flags: <defaults>
</compile_context>

<pallas_src>
import functools

import numpy as np
import jax
import jax.numpy as jnp
from jax import lax
from jax.experimental import pallas as pl
from jax.experimental.pallas import tpu as pltpu
from jax.experimental.pallas import tpu_sc as plsc

_N_SEG = 64
_NC, _NS = 1, 16
_NW = _NC * _NS


def _segment_starts(nT: int) -> np.ndarray:
    t_vec = np.linspace(1, nT, _N_SEG + 1)
    return np.asarray([int(round(x)) - 1 for x in t_vec[:-1]], dtype=np.int32)


@functools.lru_cache(maxsize=None)
def _build(B: int, nT: int, D: int):
    idx = _segment_starts(nT)
    gidx = (np.arange(B, dtype=np.int64)[:, None] * nT + idx[None, :])
    gidx = gidx.reshape(-1).astype(np.int32)
    n_rows = gidx.size
    assert n_rows % _NW == 0
    rpw = n_rows // _NW

    assert _N_SEG % rpw == 0
    wpb = _N_SEG // rpw

    mesh = plsc.VectorSubcoreMesh(
        core_axis_name="c", subcore_axis_name="s",
        num_cores=_NC, num_subcores=_NS)

    nck = 4
    csz = rpw // nck

    @functools.partial(
        pl.kernel, mesh=mesh,
        compiler_params=pltpu.CompilerParams(skip_device_barrier=True),
        out_type=jax.ShapeDtypeStruct((B, _N_SEG, D), jnp.float32),
        scratch_types=[
            pltpu.VMEM((nck, csz), jnp.int32),
            pltpu.VMEM((nck, csz, D), jnp.float32),
            pltpu.SemaphoreType.DMA,
            pltpu.SemaphoreType.DMA,
        ],
    )
    def gather_rows(table_hbm, idx_hbm, out_hbm, idx_v, rows_v, gsem, ssem):
        wid = lax.axis_index("s") * _NC + lax.axis_index("c")
        b = wid // wpb
        j0 = (wid % wpb) * rpw
        pltpu.sync_copy(idx_hbm.at[wid], idx_v)
        gathers = [
            pltpu.async_copy(table_hbm.at[idx_v.at[k]], rows_v.at[k], gsem)
            for k in range(nck)]
        scatters = []
        for k in range(nck):
            gathers[k].wait()
            scatters.append(pltpu.async_copy(
                rows_v.at[k], out_hbm.at[b, pl.ds(j0 + k * csz, csz)], ssem))
        for s in scatters:
            s.wait()

    return gather_rows, gidx.reshape(_NW, nck, csz)


def kernel(inp):
    B, nT, D = inp.shape
    gather_rows, gidx = _build(B, nT, D)
    return gather_rows(inp.reshape(B * nT, D), jnp.asarray(gidx))

# --- scband reference (transcript-rebuilt; emitter-appended) ---
"""Pipeline reference for scband-sp-1614907703724 (READ-ONLY COPY).

The authoritative reference and input builder live on the scoring server;
editing this copy changes nothing except your own understanding.
"""

import jax, jax.numpy as jnp
import numpy as np

N_SEGMENTS = 64

def setup_inputs(seed: int = 0) -> dict:
    key = jax.random.key(seed)
    inp = jax.random.normal(key, (4, 4096, 2048), dtype=jnp.float32)
    return {"inp": inp}

def reference(inp) -> jnp.ndarray:
    nT = inp.shape[1]
    t_vec = np.linspace(1, nT, N_SEGMENTS + 1)
    t_vec = [int(round(x)) - 1 for x in t_vec]
    idx = jnp.asarray(t_vec[:-1], dtype=jnp.int32)
    return jnp.take(inp, idx, axis=1)

if __name__ == "__main__":
    import jax
    _d = setup_inputs()
    print(jax.jit(kernel)(*tuple(_d.values())))

</pallas_src>

<mosaic_0001>
#map = affine_map<(d0, d1) -> (0, 0)>
#map1 = affine_map<(d0, d1) -> (0, 0, 0)>
module attributes {stable_mosaic.version = 14 : i64} {
  func.func @gather_rows(%arg0: i32, %arg1: i32, %arg2: memref<16384x2048xf32, #tpu.memory_space<hbm>>, %arg3: memref<16x4x4xi32, #tpu.memory_space<hbm>>, %arg4: memref<4x64x2048xf32, #tpu.memory_space<hbm>>, %arg5: memref<4x4xi32, #tpu.memory_space<vmem>>, %arg6: memref<4x4x2048xf32, #tpu.memory_space<vmem>>, %arg7: memref<!tpu.dma_semaphore, #tpu.memory_space<semaphore_mem>>, %arg8: memref<!tpu.dma_semaphore, #tpu.memory_space<semaphore_mem>>) attributes {dimension_semantics = [#tpu.dimension_semantics<core_parallel>, #tpu.dimension_semantics<subcore_parallel>], iteration_bounds = array<i64: 1, 16>, scalar_prefetch = 0 : i64, scratch_operands = 4 : i64, tpu.core_type = #tpu.core_type<sc_vector_subcore>, window_params = [{transform_indices = #map}, {transform_indices = #map1}, {transform_indices = #map1}]} {
    %mul3A = arith.constant 1 : i32
    %mul3A_0 = arith.muli %arg1, %mul3A : i32
    %add3A = arith.addi %mul3A_0, %arg0 : i32
    %jit3A = arith.constant 4 : i32
    %div3A = arith.divsi %add3A, %jit3A : i32
    %sign3A = arith.constant 0 : i32
    %sign3A_1 = arith.cmpi sgt, %add3A, %sign3A : i32
    %sign3A_2 = arith.extui %sign3A_1 : i1 to i32
    %sign3A_3 = arith.constant 0 : i32
    %sign3A_4 = arith.cmpi slt, %add3A, %sign3A_3 : i32
    %sign3A_5 = arith.extui %sign3A_4 : i1 to i32
    %sign3A_6 = arith.subi %sign3A_2, %sign3A_5 : i32
    %sign3A_7 = arith.constant 0 : i32
    %sign3A_8 = arith.cmpi sgt, %jit3A, %sign3A_7 : i32
    %sign3A_9 = arith.extui %sign3A_8 : i1 to i32
    %sign3A_10 = arith.constant 0 : i32
    %sign3A_11 = arith.cmpi slt, %jit3A, %sign3A_10 : i32
    %sign3A_12 = arith.extui %sign3A_11 : i1 to i32
    %sign3A_13 = arith.subi %sign3A_9, %sign3A_12 : i32
    %ne3A = arith.cmpi ne, %sign3A_6, %sign3A_13 : i32
    %rem3A = arith.remsi %add3A, %jit3A : i32
    %ne3A_14 = arith.constant 0 : i32
    %ne3A_15 = arith.cmpi ne, %rem3A, %ne3A_14 : i32
    %and3A = arith.andi %ne3A, %ne3A_15 : i1
    %sub3A = arith.constant 1 : i32
    %sub3A_16 = arith.subi %div3A, %sub3A : i32
    %select_n3A = arith.select %and3A, %sub3A_16, %div3A : i32
    %jit3A_17 = arith.constant 4 : i32
    %eq3A = arith.constant 0 : i32
    %eq3A_18 = arith.cmpi eq, %jit3A_17, %eq3A : i32
    %jit3A_19 = arith.constant 1 : i32
    %select_n3A_20 = arith.select %eq3A_18, %jit3A_19, %jit3A_17 : i32
    %rem3A_21 = arith.remsi %add3A, %select_n3A_20 : i32
    %ne3A_22 = arith.constant 0 : i32
    %ne3A_23 = arith.cmpi ne, %rem3A_21, %ne3A_22 : i32
    %lt3A = arith.constant 0 : i32
    %lt3A_24 = arith.cmpi slt, %rem3A_21, %lt3A : i32
    %lt3A_25 = arith.constant 0 : i32
    %lt3A_26 = arith.cmpi slt, %select_n3A_20, %lt3A_25 : i32
    %ne3A_27 = arith.xori %lt3A_24, %lt3A_26 : i1
    %and3A_28 = arith.andi %ne3A_27, %ne3A_23 : i1
    %add3A_29 = arith.addi %rem3A_21, %select_n3A_20 : i32
    %select_n3A_30 = arith.select %and3A_28, %add3A_29, %rem3A_21 : i32
    %mul3A_31 = arith.constant 16 : i32
    %mul3A_32 = arith.muli %select_n3A_30, %mul3A_31 : i32
    "tpu.region"() ({
      %run_scoped3A = tpu.sem_alloc : memref<!tpu.dma_semaphore, #tpu.memory_space<semaphore_mem>>
      %dma_start3A_255 = arith.constant 0 : i32
      %dma_start3A_256 = arith.constant 0 : i32
      %dma_start3A_257 = tpu.memref_slice %arg3[%add3A, %dma_start3A_255, %dma_start3A_256] : memref<16x4x4xi32, #tpu.memory_space<hbm>> -> memref<1x4x4xi32, #tpu.memory_space<hbm>>
      %dma_start3A_258 = tpu.memref_squeeze %dma_start3A_257 : memref<1x4x4xi32, #tpu.memory_space<hbm>> -> memref<4x4xi32, #tpu.memory_space<hbm>>
      %dma_start3A_259 = arith.constant 0 : i32
      %dma_start3A_260 = arith.constant 0 : i32
      %dma_start3A_261 = tpu.memref_slice %arg3[%add3A, %dma_start3A_259, %dma_start3A_260] : memref<16x4x4xi32, #tpu.memory_space<hbm>> -> memref<1x4x4xi32, #tpu.memory_space<hbm>>
      %dma_start3A_262 = tpu.memref_squeeze %dma_start3A_261 : memref<1x4x4xi32, #tpu.memory_space<hbm>> -> memref<4x4xi32, #tpu.memory_space<hbm>>
      tpu.enqueue_dma source(%dma_start3A_262 : memref<4x4xi32, #tpu.memory_space<hbm>>) target(%arg5 : memref<4x4xi32, #tpu.memory_space<vmem>>) target_semaphore(%run_scoped3A : memref<!tpu.dma_semaphore, #tpu.memory_space<semaphore_mem>>)
      %dma_wait3A_263 = arith.constant 0 : i32
      %dma_wait3A_264 = arith.constant 0 : i32
      %dma_wait3A_265 = tpu.memref_slice %arg3[%add3A, %dma_wait3A_263, %dma_wait3A_264] : memref<16x4x4xi32, #tpu.memory_space<hbm>> -> memref<1x4x4xi32, #tpu.memory_space<hbm>>
      %dma_wait3A_266 = tpu.memref_squeeze %dma_wait3A_265 : memref<1x4x4xi32, #tpu.memory_space<hbm>> -> memref<4x4xi32, #tpu.memory_space<hbm>>
      %dma_wait3A_267 = arith.constant 0 : i32
      %dma_wait3A_268 = arith.constant 0 : i32
      %dma_wait3A_269 = tpu.memref_slice %arg3[%add3A, %dma_wait3A_267, %dma_wait3A_268] : memref<16x4x4xi32, #tpu.memory_space<hbm>> -> memref<1x4x4xi32, #tpu.memory_space<hbm>>
      %dma_wait3A_270 = tpu.memref_squeeze %dma_wait3A_269 : memref<1x4x4xi32, #tpu.memory_space<hbm>> -> memref<4x4xi32, #tpu.memory_space<hbm>>
      tpu.wait_dma2 semaphore(%run_scoped3A : memref<!tpu.dma_semaphore, #tpu.memory_space<semaphore_mem>>) src(%dma_wait3A_270 : memref<4x4xi32, #tpu.memory_space<hbm>>) dst(%arg5 : memref<4x4xi32, #tpu.memory_space<vmem>>)
      tpu.yield
    }) : () -> ()
    %dma_start3A = arith.constant 0 : i32
    %dma_start3A_33 = arith.constant 0 : i32
    %dma_start3A_34 = arith.constant 0 : i32
    %dma_start3A_35 = arith.constant 0 : i32
    %dma_start3A_36 = tpu.memref_slice %arg6[%dma_start3A_33, %dma_start3A_34, %dma_start3A_35] : memref<4x4x2048xf32, #tpu.memory_space<vmem>> -> memref<1x4x2048xf32, #tpu.memory_space<vmem>>
    %dma_start3A_37 = tpu.memref_squeeze %dma_start3A_36 : memref<1x4x2048xf32, #tpu.memory_space<vmem>> -> memref<4x2048xf32, #tpu.memory_space<vmem>>
    %dma_start3A_38 = arith.constant 0 : i32
    %dma_start3A_39 = tpu.memref_slice %arg5[%dma_start3A, %dma_start3A_38] : memref<4x4xi32, #tpu.memory_space<vmem>> -> memref<1x4xi32, #tpu.memory_space<vmem>>
    %dma_start3A_40 = tpu.memref_squeeze %dma_start3A_39 : memref<1x4xi32, #tpu.memory_space<vmem>> -> memref<4xi32, #tpu.memory_space<vmem>>
    %dma_start3A_41 = arith.constant 0 : i32
    %dma_start3A_42 = arith.constant 0 : i32
    %dma_start3A_43 = tpu.memref_slice %arg2[%dma_start3A_41, %dma_start3A_42] : memref<16384x2048xf32, #tpu.memory_space<hbm>> -> memref<16384x2048xf32, #tpu.memory_space<hbm>>
    tpu.enqueue_indirect_dma source(%dma_start3A_43 : memref<16384x2048xf32, #tpu.memory_space<hbm>>) target(%dma_start3A_37 : memref<4x2048xf32, #tpu.memory_space<vmem>>) offsets(%dma_start3A_40 : memref<4xi32, #tpu.memory_space<vmem>>) semaphore(%arg7 : memref<!tpu.dma_semaphore, #tpu.memory_space<semaphore_mem>>)
    %dma_start3A_44 = arith.constant 1 : i32
    %dma_start3A_45 = arith.constant 1 : i32
    %dma_start3A_46 = arith.constant 0 : i32
    %dma_start3A_47 = arith.constant 0 : i32
    %dma_start3A_48 = tpu.memref_slice %arg6[%dma_start3A_45, %dma_start3A_46, %dma_start3A_47] : memref<4x4x2048xf32, #tpu.memory_space<vmem>> -> memref<1x4x2048xf32, #tpu.memory_space<vmem>>
    %dma_start3A_49 = tpu.memref_squeeze %dma_start3A_48 : memref<1x4x2048xf32, #tpu.memory_space<vmem>> -> memref<4x2048xf32, #tpu.memory_space<vmem>>
    %dma_start3A_50 = arith.constant 0 : i32
    %dma_start3A_51 = tpu.memref_slice %arg5[%dma_start3A_44, %dma_start3A_50] : memref<4x4xi32, #tpu.memory_space<vmem>> -> memref<1x4xi32, #tpu.memory_space<vmem>>
    %dma_start3A_52 = tpu.memref_squeeze %dma_start3A_51 : memref<1x4xi32, #tpu.memory_space<vmem>> -> memref<4xi32, #tpu.memory_space<vmem>>
    %dma_start3A_53 = arith.constant 0 : i32
    %dma_start3A_54 = arith.constant 0 : i32
    %dma_start3A_55 = tpu.memref_slice %arg2[%dma_start3A_53, %dma_start3A_54] : memref<16384x2048xf32, #tpu.memory_space<hbm>> -> memref<16384x2048xf32, #tpu.memory_space<hbm>>
    tpu.enqueue_indirect_dma source(%dma_start3A_55 : memref<16384x2048xf32, #tpu.memory_space<hbm>>) target(%dma_start3A_49 : memref<4x2048xf32, #tpu.memory_space<vmem>>) offsets(%dma_start3A_52 : memref<4xi32, #tpu.memory_space<vmem>>) semaphore(%arg7 : memref<!tpu.dma_semaphore, #tpu.memory_space<semaphore_mem>>)
    %dma_start3A_56 = arith.constant 2 : i32
    %dma_start3A_57 = arith.constant 2 : i32
    %dma_start3A_58 = arith.constant 0 : i32
    %dma_start3A_59 = arith.constant 0 : i32
    %dma_start3A_60 = tpu.memref_slice %arg6[%dma_start3A_57, %dma_start3A_58, %dma_start3A_59] : memref<4x4x2048xf32, #tpu.memory_space<vmem>> -> memref<1x4x2048xf32, #tpu.memory_space<vmem>>
    %dma_start3A_61 = tpu.memref_squeeze %dma_start3A_60 : memref<1x4x2048xf32, #tpu.memory_space<vmem>> -> memref<4x2048xf32, #tpu.memory_space<vmem>>
    %dma_start3A_62 = arith.constant 0 : i32
    %dma_start3A_63 = tpu.memref_slice %arg5[%dma_start3A_56, %dma_start3A_62] : memref<4x4xi32, #tpu.memory_space<vmem>> -> memref<1x4xi32, #tpu.memory_space<vmem>>
    %dma_start3A_64 = tpu.memref_squeeze %dma_start3A_63 : memref<1x4xi32, #tpu.memory_space<vmem>> -> memref<4xi32, #tpu.memory_space<vmem>>
    %dma_start3A_65 = arith.constant 0 : i32
    %dma_start3A_66 = arith.constant 0 : i32
    %dma_start3A_67 = tpu.memref_slice %arg2[%dma_start3A_65, %dma_start3A_66] : memref<16384x2048xf32, #tpu.memory_space<hbm>> -> memref<16384x2048xf32, #tpu.memory_space<hbm>>
    tpu.enqueue_indirect_dma source(%dma_start3A_67 : memref<16384x2048xf32, #tpu.memory_space<hbm>>) target(%dma_start3A_61 : memref<4x2048xf32, #tpu.memory_space<vmem>>) offsets(%dma_start3A_64 : memref<4xi32, #tpu.memory_space<vmem>>) semaphore(%arg7 : memref<!tpu.dma_semaphore, #tpu.memory_space<semaphore_mem>>)
    %dma_start3A_68 = arith.constant 3 : i32
    %dma_start3A_69 = arith.constant 3 : i32
    %dma_start3A_70 = arith.constant 0 : i32
    %dma_start3A_71 = arith.constant 0 : i32
    %dma_start3A_72 = tpu.memref_slice %arg6[%dma_start3A_69, %dma_start3A_70, %dma_start3A_71] : memref<4x4x2048xf32, #tpu.memory_space<vmem>> -> memref<1x4x2048xf32, #tpu.memory_space<vmem>>
    %dma_start3A_73 = tpu.memref_squeeze %dma_start3A_72 : memref<1x4x2048xf32, #tpu.memory_space<vmem>> -> memref<4x2048xf32, #tpu.memory_space<vmem>>
    %dma_start3A_74 = arith.constant 0 : i32
    %dma_start3A_75 = tpu.memref_slice %arg5[%dma_start3A_68, %dma_start3A_74] : memref<4x4xi32, #tpu.memory_space<vmem>> -> memref<1x4xi32, #tpu.memory_space<vmem>>
    %dma_start3A_76 = tpu.memref_squeeze %dma_start3A_75 : memref<1x4xi32, #tpu.memory_space<vmem>> -> memref<4xi32, #tpu.memory_space<vmem>>
    %dma_start3A_77 = arith.constant 0 : i32
    %dma_start3A_78 = arith.constant 0 : i32
    %dma_start3A_79 = tpu.memref_slice %arg2[%dma_start3A_77, %dma_start3A_78] : memref<16384x2048xf32, #tpu.memory_space<hbm>> -> memref<16384x2048xf32, #tpu.memory_space<hbm>>
    tpu.enqueue_indirect_dma source(%dma_start3A_79 : memref<16384x2048xf32, #tpu.memory_space<hbm>>) target(%dma_start3A_73 : memref<4x2048xf32, #tpu.memory_space<vmem>>) offsets(%dma_start3A_76 : memref<4xi32, #tpu.memory_space<vmem>>) semaphore(%arg7 : memref<!tpu.dma_semaphore, #tpu.memory_space<semaphore_mem>>)
    %dma_wait3A = arith.constant 0 : i32
    %dma_wait3A_80 = arith.constant 0 : i32
    %dma_wait3A_81 = arith.constant 0 : i32
    %dma_wait3A_82 = arith.constant 0 : i32
    %dma_wait3A_83 = tpu.memref_slice %arg6[%dma_wait3A_80, %dma_wait3A_81, %dma_wait3A_82] : memref<4x4x2048xf32, #tpu.memory_space<vmem>> -> memref<1x4x2048xf32, #tpu.memory_space<vmem>>
    %dma_wait3A_84 = tpu.memref_squeeze %dma_wait3A_83 : memref<1x4x2048xf32, #tpu.memory_space<vmem>> -> memref<4x2048xf32, #tpu.memory_space<vmem>>
    %dma_wait3A_85 = arith.constant 0 : i32
    %dma_wait3A_86 = tpu.memref_slice %arg5[%dma_wait3A, %dma_wait3A_85] : memref<4x4xi32, #tpu.memory_space<vmem>> -> memref<1x4xi32, #tpu.memory_space<vmem>>
    %dma_wait3A_87 = tpu.memref_squeeze %dma_wait3A_86 : memref<1x4xi32, #tpu.memory_space<vmem>> -> memref<4xi32, #tpu.memory_space<vmem>>
    %dma_wait3A_88 = arith.constant 0 : i32
    %dma_wait3A_89 = arith.constant 0 : i32
    %dma_wait3A_90 = tpu.memref_slice %arg2[%dma_wait3A_88, %dma_wait3A_89] : memref<16384x2048xf32, #tpu.memory_space<hbm>> -> memref<16384x2048xf32, #tpu.memory_space<hbm>>
    tpu.wait_indirect_dma semaphore(%arg7 : memref<!tpu.dma_semaphore, #tpu.memory_space<semaphore_mem>>) src(%dma_wait3A_90 : memref<16384x2048xf32, #tpu.memory_space<hbm>>) dst(%dma_wait3A_84 : memref<4x2048xf32, #tpu.memory_space<vmem>>)
    %add3A_91 = arith.constant 0 : i32
    %add3A_92 = arith.addi %mul3A_32, %add3A_91 : i32
    %dma_start3A_93 = arith.constant 0 : i32
    %dma_start3A_94 = arith.constant 0 : i32
    %dma_start3A_95 = arith.constant 0 : i32
    %dma_start3A_96 = tpu.memref_slice %arg6[%dma_start3A_93, %dma_start3A_94, %dma_start3A_95] : memref<4x4x2048xf32, #tpu.memory_space<vmem>> -> memref<1x4x2048xf32, #tpu.memory_space<vmem>>
    %dma_start3A_97 = tpu.memref_squeeze %dma_start3A_96 : memref<1x4x2048xf32, #tpu.memory_space<vmem>> -> memref<4x2048xf32, #tpu.memory_space<vmem>>
    %dma_start3A_98 = arith.constant 0 : i32
    %dma_start3A_99 = tpu.memref_slice %arg4[%select_n3A, %add3A_92, %dma_start3A_98] : memref<4x64x2048xf32, #tpu.memory_space<hbm>> -> memref<1x4x2048xf32, #tpu.memory_space<hbm>>
    %dma_start3A_100 = tpu.memref_squeeze %dma_start3A_99 : memref<1x4x2048xf32, #tpu.memory_space<hbm>> -> memref<4x2048xf32, #tpu.memory_space<hbm>>
    %dma_start3A_101 = arith.constant 0 : i32
    %dma_start3A_102 = tpu.memref_slice %arg4[%select_n3A, %add3A_92, %dma_start3A_101] : memref<4x64x2048xf32, #tpu.memory_space<hbm>> -> memref<1x4x2048xf32, #tpu.memory_space<hbm>>
    %dma_start3A_103 = tpu.memref_squeeze %dma_start3A_102 : memref<1x4x2048xf32, #tpu.memory_space<hbm>> -> memref<4x2048xf32, #tpu.memory_space<hbm>>
    %dma_start3A_104 = arith.constant 0 : i32
    %dma_start3A_105 = arith.constant 0 : i32
    %dma_start3A_106 = tpu.memref_slice %arg6[%dma_start3A_93, %dma_start3A_104, %dma_start3A_105] : memref<4x4x2048xf32, #tpu.memory_space<vmem>> -> memref<1x4x2048xf32, #tpu.memory_space<vmem>>
    %dma_start3A_107 = tpu.memref_squeeze %dma_start3A_106 : memref<1x4x2048xf32, #tpu.memory_space<vmem>> -> memref<4x2048xf32, #tpu.memory_space<vmem>>
    tpu.enqueue_dma source(%dma_start3A_107 : memref<4x2048xf32, #tpu.memory_space<vmem>>) target(%dma_start3A_103 : memref<4x2048xf32, #tpu.memory_space<hbm>>) target_semaphore(%arg8 : memref<!tpu.dma_semaphore, #tpu.memory_space<semaphore_mem>>)
    %dma_wait3A_108 = arith.constant 1 : i32
    %dma_wait3A_109 = arith.constant 1 : i32
    %dma_wait3A_110 = arith.constant 0 : i32
    %dma_wait3A_111 = arith.constant 0 : i32
    %dma_wait3A_112 = tpu.memref_slice %arg6[%dma_wait3A_109, %dma_wait3A_110, %dma_wait3A_111] : memref<4x4x2048xf32, #tpu.memory_space<vmem>> -> memref<1x4x2048xf32, #tpu.memory_space<vmem>>
    %dma_wait3A_113 = tpu.memref_squeeze %dma_wait3A_112 : memref<1x4x2048xf32, #tpu.memory_space<vmem>> -> memref<4x2048xf32, #tpu.memory_space<vmem>>
    %dma_wait3A_114 = arith.constant 0 : i32
    %dma_wait3A_115 = tpu.memref_slice %arg5[%dma_wait3A_108, %dma_wait3A_114] : memref<4x4xi32, #tpu.memory_space<vmem>> -> memref<1x4xi32, #tpu.memory_space<vmem>>
    %dma_wait3A_116 = tpu.memref_squeeze %dma_wait3A_115 : memref<1x4xi32, #tpu.memory_space<vmem>> -> memref<4xi32, #tpu.memory_space<vmem>>
    %dma_wait3A_117 = arith.constant 0 : i32
    %dma_wait3A_118 = arith.constant 0 : i32
    %dma_wait3A_119 = tpu.memref_slice %arg2[%dma_wait3A_117, %dma_wait3A_118] : memref<16384x2048xf32, #tpu.memory_space<hbm>> -> memref<16384x2048xf32, #tpu.memory_space<hbm>>
    tpu.wait_indirect_dma semaphore(%arg7 : memref<!tpu.dma_semaphore, #tpu.memory_space<semaphore_mem>>) src(%dma_wait3A_119 : memref<16384x2048xf32, #tpu.memory_space<hbm>>) dst(%dma_wait3A_113 : memref<4x2048xf32, #tpu.memory_space<vmem>>)
    %add3A_120 = arith.constant 4 : i32
    %add3A_121 = arith.addi %mul3A_32, %add3A_120 : i32
    %dma_start3A_122 = arith.constant 1 : i32
    %dma_start3A_123 = arith.constant 0 : i32
    %dma_start3A_124 = arith.constant 0 : i32
    %dma_start3A_125 = tpu.memref_slice %arg6[%dma_start3A_122, %dma_start3A_123, %dma_start3A_124] : memref<4x4x2048xf32, #tpu.memory_space<vmem>> -> memref<1x4x2048xf32, #tpu.memory_space<vmem>>
    %dma_start3A_126 = tpu.memref_squeeze %dma_start3A_125 : memref<1x4x2048xf32, #tpu.memory_space<vmem>> -> memref<4x2048xf32, #tpu.memory_space<vmem>>
    %dma_start3A_127 = arith.constant 0 : i32
    %dma_start3A_128 = tpu.memref_slice %arg4[%select_n3A, %add3A_121, %dma_start3A_127] : memref<4x64x2048xf32, #tpu.memory_space<hbm>> -> memref<1x4x2048xf32, #tpu.memory_space<hbm>>
    %dma_start3A_129 = tpu.memref_squeeze %dma_start3A_128 : memref<1x4x2048xf32, #tpu.memory_space<hbm>> -> memref<4x2048xf32, #tpu.memory_space<hbm>>
    %dma_start3A_130 = arith.constant 0 : i32
    %dma_start3A_131 = tpu.memref_slice %arg4[%select_n3A, %add3A_121, %dma_start3A_130] : memref<4x64x2048xf32, #tpu.memory_space<hbm>> -> memref<1x4x2048xf32, #tpu.memory_space<hbm>>
    %dma_start3A_132 = tpu.memref_squeeze %dma_start3A_131 : memref<1x4x2048xf32, #tpu.memory_space<hbm>> -> memref<4x2048xf32, #tpu.memory_space<hbm>>
    %dma_start3A_133 = arith.constant 0 : i32
    %dma_start3A_134 = arith.constant 0 : i32
    %dma_start3A_135 = tpu.memref_slice %arg6[%dma_start3A_122, %dma_start3A_133, %dma_start3A_134] : memref<4x4x2048xf32, #tpu.memory_space<vmem>> -> memref<1x4x2048xf32, #tpu.memory_space<vmem>>
    %dma_start3A_136 = tpu.memref_squeeze %dma_start3A_135 : memref<1x4x2048xf32, #tpu.memory_space<vmem>> -> memref<4x2048xf32, #tpu.memory_space<vmem>>
    tpu.enqueue_dma source(%dma_start3A_136 : memref<4x2048xf32, #tpu.memory_space<vmem>>) target(%dma_start3A_132 : memref<4x2048xf32, #tpu.memory_space<hbm>>) target_semaphore(%arg8 : memref<!tpu.dma_semaphore, #tpu.memory_space<semaphore_mem>>)
    %dma_wait3A_137 = arith.constant 2 : i32
    %dma_wait3A_138 = arith.constant 2 : i32
    %dma_wait3A_139 = arith.constant 0 : i32
    %dma_wait3A_140 = arith.constant 0 : i32
    %dma_wait3A_141 = tpu.memref_slice %arg6[%dma_wait3A_138, %dma_wait3A_139, %dma_wait3A_140] : memref<4x4x2048xf32, #tpu.memory_space<vmem>> -> memref<1x4x2048xf32, #tpu.memory_space<vmem>>
    %dma_wait3A_142 = tpu.memref_squeeze %dma_wait3A_141 : memref<1x4x2048xf32, #tpu.memory_space<vmem>> -> memref<4x2048xf32, #tpu.memory_space<vmem>>
    %dma_wait3A_143 = arith.constant 0 : i32
    %dma_wait3A_144 = tpu.memref_slice %arg5[%dma_wait3A_137, %dma_wait3A_143] : memref<4x4xi32, #tpu.memory_space<vmem>> -> memref<1x4xi32, #tpu.memory_space<vmem>>
    %dma_wait3A_145 = tpu.memref_squeeze %dma_wait3A_144 : memref<1x4xi32, #tpu.memory_space<vmem>> -> memref<4xi32, #tpu.memory_space<vmem>>
    %dma_wait3A_146 = arith.constant 0 : i32
    %dma_wait3A_147 = arith.constant 0 : i32
    %dma_wait3A_148 = tpu.memref_slice %arg2[%dma_wait3A_146, %dma_wait3A_147] : memref<16384x2048xf32, #tpu.memory_space<hbm>> -> memref<16384x2048xf32, #tpu.memory_space<hbm>>
    tpu.wait_indirect_dma semaphore(%arg7 : memref<!tpu.dma_semaphore, #tpu.memory_space<semaphore_mem>>) src(%dma_wait3A_148 : memref<16384x2048xf32, #tpu.memory_space<hbm>>) dst(%dma_wait3A_142 : memref<4x2048xf32, #tpu.memory_space<vmem>>)
    %add3A_149 = arith.constant 8 : i32
    %add3A_150 = arith.addi %mul3A_32, %add3A_149 : i32
    %dma_start3A_151 = arith.constant 2 : i32
    %dma_start3A_152 = arith.constant 0 : i32
    %dma_start3A_153 = arith.constant 0 : i32
    %dma_start3A_154 = tpu.memref_slice %arg6[%dma_start3A_151, %dma_start3A_152, %dma_start3A_153] : memref<4x4x2048xf32, #tpu.memory_space<vmem>> -> memref<1x4x2048xf32, #tpu.memory_space<vmem>>
    %dma_start3A_155 = tpu.memref_squeeze %dma_start3A_154 : memref<1x4x2048xf32, #tpu.memory_space<vmem>> -> memref<4x2048xf32, #tpu.memory_space<vmem>>
    %dma_start3A_156 = arith.constant 0 : i32
    %dma_start3A_157 = tpu.memref_slice %arg4[%select_n3A, %add3A_150, %dma_start3A_156] : memref<4x64x2048xf32, #tpu.memory_space<hbm>> -> memref<1x4x2048xf32, #tpu.memory_space<hbm>>
    %dma_start3A_158 = tpu.memref_squeeze %dma_start3A_157 : memref<1x4x2048xf32, #tpu.memory_space<hbm>> -> memref<4x2048xf32, #tpu.memory_space<hbm>>
    %dma_start3A_159 = arith.constant 0 : i32
    %dma_start3A_160 = tpu.memref_slice %arg4[%select_n3A, %add3A_150, %dma_start3A_159] : memref<4x64x2048xf32, #tpu.memory_space<hbm>> -> memref<1x4x2048xf32, #tpu.memory_space<hbm>>
    %dma_start3A_161 = tpu.memref_squeeze %dma_start3A_160 : memref<1x4x2048xf32, #tpu.memory_space<hbm>> -> memref<4x2048xf32, #tpu.memory_space<hbm>>
    %dma_start3A_162 = arith.constant 0 : i32
    %dma_start3A_163 = arith.constant 0 : i32
    %dma_start3A_164 = tpu.memref_slice %arg6[%dma_start3A_151, %dma_start3A_162, %dma_start3A_163] : memref<4x4x2048xf32, #tpu.memory_space<vmem>> -> memref<1x4x2048xf32, #tpu.memory_space<vmem>>
    %dma_start3A_165 = tpu.memref_squeeze %dma_start3A_164 : memref<1x4x2048xf32, #tpu.memory_space<vmem>> -> memref<4x2048xf32, #tpu.memory_space<vmem>>
    tpu.enqueue_dma source(%dma_start3A_165 : memref<4x2048xf32, #tpu.memory_space<vmem>>) target(%dma_start3A_161 : memref<4x2048xf32, #tpu.memory_space<hbm>>) target_semaphore(%arg8 : memref<!tpu.dma_semaphore, #tpu.memory_space<semaphore_mem>>)
    %dma_wait3A_166 = arith.constant 3 : i32
    %dma_wait3A_167 = arith.constant 3 : i32
    %dma_wait3A_168 = arith.constant 0 : i32
    %dma_wait3A_169 = arith.constant 0 : i32
    %dma_wait3A_170 = tpu.memref_slice %arg6[%dma_wait3A_167, %dma_wait3A_168, %dma_wait3A_169] : memref<4x4x2048xf32, #tpu.memory_space<vmem>> -> memref<1x4x2048xf32, #tpu.memory_space<vmem>>
    %dma_wait3A_171 = tpu.memref_squeeze %dma_wait3A_170 : memref<1x4x2048xf32, #tpu.memory_space<vmem>> -> memref<4x2048xf32, #tpu.memory_space<vmem>>
    %dma_wait3A_172 = arith.constant 0 : i32
    %dma_wait3A_173 = tpu.memref_slice %arg5[%dma_wait3A_166, %dma_wait3A_172] : memref<4x4xi32, #tpu.memory_space<vmem>> -> memref<1x4xi32, #tpu.memory_space<vmem>>
    %dma_wait3A_174 = tpu.memref_squeeze %dma_wait3A_173 : memref<1x4xi32, #tpu.memory_space<vmem>> -> memref<4xi32, #tpu.memory_space<vmem>>
    %dma_wait3A_175 = arith.constant 0 : i32
    %dma_wait3A_176 = arith.constant 0 : i32
    %dma_wait3A_177 = tpu.memref_slice %arg2[%dma_wait3A_175, %dma_wait3A_176] : memref<16384x2048xf32, #tpu.memory_space<hbm>> -> memref<16384x2048xf32, #tpu.memory_space<hbm>>
    tpu.wait_indirect_dma semaphore(%arg7 : memref<!tpu.dma_semaphore, #tpu.memory_space<semaphore_mem>>) src(%dma_wait3A_177 : memref<16384x2048xf32, #tpu.memory_space<hbm>>) dst(%dma_wait3A_171 : memref<4x2048xf32, #tpu.memory_space<vmem>>)
    %add3A_178 = arith.constant 12 : i32
    %add3A_179 = arith.addi %mul3A_32, %add3A_178 : i32
    %dma_start3A_180 = arith.constant 3 : i32
    %dma_start3A_181 = arith.constant 0 : i32
    %dma_start3A_182 = arith.constant 0 : i32
    %dma_start3A_183 = tpu.memref_slice %arg6[%dma_start3A_180, %dma_start3A_181, %dma_start3A_182] : memref<4x4x2048xf32, #tpu.memory_space<vmem>> -> memref<1x4x2048xf32, #tpu.memory_space<vmem>>
    %dma_start3A_184 = tpu.memref_squeeze %dma_start3A_183 : memref<1x4x2048xf32, #tpu.memory_space<vmem>> -> memref<4x2048xf32, #tpu.memory_space<vmem>>
    %dma_start3A_185 = arith.constant 0 : i32
    %dma_start3A_186 = tpu.memref_slice %arg4[%select_n3A, %add3A_179, %dma_start3A_185] : memref<4x64x2048xf32, #tpu.memory_space<hbm>> -> memref<1x4x2048xf32, #tpu.memory_space<hbm>>
    %dma_start3A_187 = tpu.memref_squeeze %dma_start3A_186 : memref<1x4x2048xf32, #tpu.memory_space<hbm>> -> memref<4x2048xf32, #tpu.memory_space<hbm>>
    %dma_start3A_188 = arith.constant 0 : i32
    %dma_start3A_189 = tpu.memref_slice %arg4[%select_n3A, %add3A_179, %dma_start3A_188] : memref<4x64x2048xf32, #tpu.memory_space<hbm>> -> memref<1x4x2048xf32, #tpu.memory_space<hbm>>
    %dma_start3A_190 = tpu.memref_squeeze %dma_start3A_189 : memref<1x4x2048xf32, #tpu.memory_space<hbm>> -> memref<4x2048xf32, #tpu.memory_space<hbm>>
    %dma_start3A_191 = arith.constant 0 : i32
    %dma_start3A_192 = arith.constant 0 : i32
    %dma_start3A_193 = tpu.memref_slice %arg6[%dma_start3A_180, %dma_start3A_191, %dma_start3A_192] : memref<4x4x2048xf32, #tpu.memory_space<vmem>> -> memref<1x4x2048xf32, #tpu.memory_space<vmem>>
    %dma_start3A_194 = tpu.memref_squeeze %dma_start3A_193 : memref<1x4x2048xf32, #tpu.memory_space<vmem>> -> memref<4x2048xf32, #tpu.memory_space<vmem>>
    tpu.enqueue_dma source(%dma_start3A_194 : memref<4x2048xf32, #tpu.memory_space<vmem>>) target(%dma_start3A_190 : memref<4x2048xf32, #tpu.memory_space<hbm>>) target_semaphore(%arg8 : memref<!tpu.dma_semaphore, #tpu.memory_space<semaphore_mem>>)
    %dma_wait3A_195 = arith.constant 0 : i32
    %dma_wait3A_196 = arith.constant 0 : i32
    %dma_wait3A_197 = arith.constant 0 : i32
    %dma_wait3A_198 = tpu.memref_slice %arg6[%dma_wait3A_195, %dma_wait3A_196, %dma_wait3A_197] : memref<4x4x2048xf32, #tpu.memory_space<vmem>> -> memref<1x4x2048xf32, #tpu.memory_space<vmem>>
    %dma_wait3A_199 = tpu.memref_squeeze %dma_wait3A_198 : memref<1x4x2048xf32, #tpu.memory_space<vmem>> -> memref<4x2048xf32, #tpu.memory_space<vmem>>
    %dma_wait3A_200 = arith.constant 0 : i32
    %dma_wait3A_201 = tpu.memref_slice %arg4[%select_n3A, %add3A_92, %dma_wait3A_200] : memref<4x64x2048xf32, #tpu.memory_space<hbm>> -> memref<1x4x2048xf32, #tpu.memory_space<hbm>>
    %dma_wait3A_202 = tpu.memref_squeeze %dma_wait3A_201 : memref<1x4x2048xf32, #tpu.memory_space<hbm>> -> memref<4x2048xf32, #tpu.memory_space<hbm>>
    %dma_wait3A_203 = arith.constant 0 : i32
    %dma_wait3A_204 = tpu.memref_slice %arg4[%select_n3A, %add3A_92, %dma_wait3A_203] : memref<4x64x2048xf32, #tpu.memory_space<hbm>> -> memref<1x4x2048xf32, #tpu.memory_space<hbm>>
    %dma_wait3A_205 = tpu.memref_squeeze %dma_wait3A_204 : memref<1x4x2048xf32, #tpu.memory_space<hbm>> -> memref<4x2048xf32, #tpu.memory_space<hbm>>
    %dma_wait3A_206 = arith.constant 0 : i32
    %dma_wait3A_207 = arith.constant 0 : i32
    %dma_wait3A_208 = tpu.memref_slice %arg6[%dma_wait3A_195, %dma_wait3A_206, %dma_wait3A_207] : memref<4x4x2048xf32, #tpu.memory_space<vmem>> -> memref<1x4x2048xf32, #tpu.memory_space<vmem>>
    %dma_wait3A_209 = tpu.memref_squeeze %dma_wait3A_208 : memref<1x4x2048xf32, #tpu.memory_space<vmem>> -> memref<4x2048xf32, #tpu.memory_space<vmem>>
    tpu.wait_dma2 semaphore(%arg8 : memref<!tpu.dma_semaphore, #tpu.memory_space<semaphore_mem>>) src(%dma_wait3A_209 : memref<4x2048xf32, #tpu.memory_space<vmem>>) dst(%dma_wait3A_205 : memref<4x2048xf32, #tpu.memory_space<hbm>>)
    %dma_wait3A_210 = arith.constant 1 : i32
    %dma_wait3A_211 = arith.constant 0 : i32
    %dma_wait3A_212 = arith.constant 0 : i32
    %dma_wait3A_213 = tpu.memref_slice %arg6[%dma_wait3A_210, %dma_wait3A_211, %dma_wait3A_212] : memref<4x4x2048xf32, #tpu.memory_space<vmem>> -> memref<1x4x2048xf32, #tpu.memory_space<vmem>>
    %dma_wait3A_214 = tpu.memref_squeeze %dma_wait3A_213 : memref<1x4x2048xf32, #tpu.memory_space<vmem>> -> memref<4x2048xf32, #tpu.memory_space<vmem>>
    %dma_wait3A_215 = arith.constant 0 : i32
    %dma_wait3A_216 = tpu.memref_slice %arg4[%select_n3A, %add3A_121, %dma_wait3A_215] : memref<4x64x2048xf32, #tpu.memory_space<hbm>> -> memref<1x4x2048xf32, #tpu.memory_space<hbm>>
    %dma_wait3A_217 = tpu.memref_squeeze %dma_wait3A_216 : memref<1x4x2048xf32, #tpu.memory_space<hbm>> -> memref<4x2048xf32, #tpu.memory_space<hbm>>
    %dma_wait3A_218 = arith.constant 0 : i32
    %dma_wait3A_219 = tpu.memref_slice %arg4[%select_n3A, %add3A_121, %dma_wait3A_218] : memref<4x64x2048xf32, #tpu.memory_space<hbm>> -> memref<1x4x2048xf32, #tpu.memory_space<hbm>>
    %dma_wait3A_220 = tpu.memref_squeeze %dma_wait3A_219 : memref<1x4x2048xf32, #tpu.memory_space<hbm>> -> memref<4x2048xf32, #tpu.memory_space<hbm>>
    %dma_wait3A_221 = arith.constant 0 : i32
    %dma_wait3A_222 = arith.constant 0 : i32
    %dma_wait3A_223 = tpu.memref_slice %arg6[%dma_wait3A_210, %dma_wait3A_221, %dma_wait3A_222] : memref<4x4x2048xf32, #tpu.memory_space<vmem>> -> memref<1x4x2048xf32, #tpu.memory_space<vmem>>
    %dma_wait3A_224 = tpu.memref_squeeze %dma_wait3A_223 : memref<1x4x2048xf32, #tpu.memory_space<vmem>> -> memref<4x2048xf32, #tpu.memory_space<vmem>>
    tpu.wait_dma2 semaphore(%arg8 : memref<!tpu.dma_semaphore, #tpu.memory_space<semaphore_mem>>) src(%dma_wait3A_224 : memref<4x2048xf32, #tpu.memory_space<vmem>>) dst(%dma_wait3A_220 : memref<4x2048xf32, #tpu.memory_space<hbm>>)
    %dma_wait3A_225 = arith.constant 2 : i32
    %dma_wait3A_226 = arith.constant 0 : i32
    %dma_wait3A_227 = arith.constant 0 : i32
    %dma_wait3A_228 = tpu.memref_slice %arg6[%dma_wait3A_225, %dma_wait3A_226, %dma_wait3A_227] : memref<4x4x2048xf32, #tpu.memory_space<vmem>> -> memref<1x4x2048xf32, #tpu.memory_space<vmem>>
    %dma_wait3A_229 = tpu.memref_squeeze %dma_wait3A_228 : memref<1x4x2048xf32, #tpu.memory_space<vmem>> -> memref<4x2048xf32, #tpu.memory_space<vmem>>
    %dma_wait3A_230 = arith.constant 0 : i32
    %dma_wait3A_231 = tpu.memref_slice %arg4[%select_n3A, %add3A_150, %dma_wait3A_230] : memref<4x64x2048xf32, #tpu.memory_space<hbm>> -> memref<1x4x2048xf32, #tpu.memory_space<hbm>>
    %dma_wait3A_232 = tpu.memref_squeeze %dma_wait3A_231 : memref<1x4x2048xf32, #tpu.memory_space<hbm>> -> memref<4x2048xf32, #tpu.memory_space<hbm>>
    %dma_wait3A_233 = arith.constant 0 : i32
    %dma_wait3A_234 = tpu.memref_slice %arg4[%select_n3A, %add3A_150, %dma_wait3A_233] : memref<4x64x2048xf32, #tpu.memory_space<hbm>> -> memref<1x4x2048xf32, #tpu.memory_space<hbm>>
    %dma_wait3A_235 = tpu.memref_squeeze %dma_wait3A_234 : memref<1x4x2048xf32, #tpu.memory_space<hbm>> -> memref<4x2048xf32, #tpu.memory_space<hbm>>
    %dma_wait3A_236 = arith.constant 0 : i32
    %dma_wait3A_237 = arith.constant 0 : i32
    %dma_wait3A_238 = tpu.memref_slice %arg6[%dma_wait3A_225, %dma_wait3A_236, %dma_wait3A_237] : memref<4x4x2048xf32, #tpu.memory_space<vmem>> -> memref<1x4x2048xf32, #tpu.memory_space<vmem>>
    %dma_wait3A_239 = tpu.memref_squeeze %dma_wait3A_238 : memref<1x4x2048xf32, #tpu.memory_space<vmem>> -> memref<4x2048xf32, #tpu.memory_space<vmem>>
    tpu.wait_dma2 semaphore(%arg8 : memref<!tpu.dma_semaphore, #tpu.memory_space<semaphore_mem>>) src(%dma_wait3A_239 : memref<4x2048xf32, #tpu.memory_space<vmem>>) dst(%dma_wait3A_235 : memref<4x2048xf32, #tpu.memory_space<hbm>>)
    %dma_wait3A_240 = arith.constant 3 : i32
    %dma_wait3A_241 = arith.constant 0 : i32
    %dma_wait3A_242 = arith.constant 0 : i32
    %dma_wait3A_243 = tpu.memref_slice %arg6[%dma_wait3A_240, %dma_wait3A_241, %dma_wait3A_242] : memref<4x4x2048xf32, #tpu.memory_space<vmem>> -> memref<1x4x2048xf32, #tpu.memory_space<vmem>>
    %dma_wait3A_244 = tpu.memref_squeeze %dma_wait3A_243 : memref<1x4x2048xf32, #tpu.memory_space<vmem>> -> memref<4x2048xf32, #tpu.memory_space<vmem>>
    %dma_wait3A_245 = arith.constant 0 : i32
    %dma_wait3A_246 = tpu.memref_slice %arg4[%select_n3A, %add3A_179, %dma_wait3A_245] : memref<4x64x2048xf32, #tpu.memory_space<hbm>> -> memref<1x4x2048xf32, #tpu.memory_space<hbm>>
    %dma_wait3A_247 = tpu.memref_squeeze %dma_wait3A_246 : memref<1x4x2048xf32, #tpu.memory_space<hbm>> -> memref<4x2048xf32, #tpu.memory_space<hbm>>
    %dma_wait3A_248 = arith.constant 0 : i32
    %dma_wait3A_249 = tpu.memref_slice %arg4[%select_n3A, %add3A_179, %dma_wait3A_248] : memref<4x64x2048xf32, #tpu.memory_space<hbm>> -> memref<1x4x2048xf32, #tpu.memory_space<hbm>>
    %dma_wait3A_250 = tpu.memref_squeeze %dma_wait3A_249 : memref<1x4x2048xf32, #tpu.memory_space<hbm>> -> memref<4x2048xf32, #tpu.memory_space<hbm>>
    %dma_wait3A_251 = arith.constant 0 : i32
    %dma_wait3A_252 = arith.constant 0 : i32
    %dma_wait3A_253 = tpu.memref_slice %arg6[%dma_wait3A_240, %dma_wait3A_251, %dma_wait3A_252] : memref<4x4x2048xf32, #tpu.memory_space<vmem>> -> memref<1x4x2048xf32, #tpu.memory_space<vmem>>
    %dma_wait3A_254 = tpu.memref_squeeze %dma_wait3A_253 : memref<1x4x2048xf32, #tpu.memory_space<vmem>> -> memref<4x2048xf32, #tpu.memory_space<vmem>>
    tpu.wait_dma2 semaphore(%arg8 : memref<!tpu.dma_semaphore, #tpu.memory_space<semaphore_mem>>) src(%dma_wait3A_254 : memref<4x2048xf32, #tpu.memory_space<vmem>>) dst(%dma_wait3A_250 : memref<4x2048xf32, #tpu.memory_space<hbm>>)
    return
  }
}

</mosaic_0001>

<sc_bundles>
// kernel: kernel.3.cloned.1.call-start
scs
__scs_entry_jumppad:
0x0: {  	(pc) =	sbr.rel $0x88, $3  }
0x1: {  	(tag) =	ssettag $0x0;
	lr =	simm.s32 $0x1  }
0x2: {  	[smem:$0x3FA0] =	sst lr;
	_ =	strace $0xD0000000  }
0x3: {  	_ = 	snop  }
0x4: {  	_ = 	snop  }
0x5: {  	_ = 	snop  }
0x6: {  	_ = 	snop  }
0x7: {  	_ = 	snop  }
__scs_overlays_trampoline_lowered:
0x8: {  	[smem:$0x3FAF] =	sst s0  }
0x9: {  	[smem:$0x3FB0] =	sst s1  }
0xa: {  	[smem:$0x3FB1] =	sst s2  }
0xb: {  	[smem:$0x3FB2] =	sst s3  }
0xc: {  	[smem:$0x3FB3] =	sst s4  }
0xd: {  	[smem:$0x3FB4] =	sst s5  }
0xe: {  	[smem:$0x3FB5] =	sst s6  }
0xf: {  	[smem:$0x3FB6] =	sst s7  }
0x10: {  	[smem:$0x3FB7] =	sst s8  }
0x11: {  	[smem:$0x3FB8] =	sst s9;
	s0 =	simm.s32 @!p0 $0x0  }
0x12: {  	s1 =	sld [smem:$0x3F9E];
	s0 =	simm.s32 @p0 $0x1  }
0x13: {  	[smem:$0x3FB9] =	sst s0;
	s0 =	simm.s32 @!p1 $0x0  }
0x14: {  	s2 =	sld [smem:$0x3F9D];
	s0 =	simm.s32 @p1 $0x1  }
0x15: {  	[smem:$0x3FBA] =	sst s0;
	s0 =	simm.s32 @!p2 $0x0  }
0x16: {  	s3 =	sld [smem:$0x3FDB];
	s0 =	simm.s32 @p2 $0x1  }
0x17: {  	s4 =	simm.s32 $0x1BF5;
	[smem:$0x3FBC] =	sst s0  }
0x18: {  	s0 =	sld [smem:$0x3F9F];
	_ =	swait.ge [sflag:s4], $0x0  }
0x19: {  	s7 =	sld [smem:$0x3FA0]  }
0x1a: {  	s8 =	sadd.s32 $0xFFFFE003, lr  }
0x1b: {  	s9 =	sadd.s32 $0xFFFFFEF7, lr;
	s5 =	simm.s32 $0xFFFFFFFF;
	p2 =	slt.u32 s8, $0xFFFFF086  }
0x1c: {  	p1 =	slt.u32 s9, $0xF7A;
	s5 =	simm.s32 @!p2 $0x0  }
0x1d: {  	s5 =	simm.s32 @p1 $0x1;
	p0 =	seq.s32 s7, s2  }
0x1e: {  	s7 =	smul.u32 @!p0 $0xF7A, s2;
	p2 =	seq.s32 @!p0 s5, $0x0  }
0x1f: {  	s9 =	smul.u32 $0xF7A, s1;
	s8 =	simm.s32 @!p0 $0x1BF5;
	p2 =	por !p2, p0  }
0x20: {  	[sflag:s8] =	ssyncset.s32 @!p0 $0xFFFFF086;
	s6 =	sadd.s32 @!p0 s3, s7;
	s7 =	simm.s32 @!p0 $0x108  }
0x21: {  	s3 =	sadd.s32 s3, s9;
	s6 =	sadd.s32 @!p0 $0x88, s6;
	s7 =	simm.s32 @p2 $0x1082  }
0x22: {  	[simem:s7], [sflag:s8] =	dma.local @!p0 [hbm:s6], $0xF7A  }
0x23: {  	s9 =	sor.u32 $0xD0000000, s2;
	s6 =	simm.s32 $0x108;
	_ =	swait.ge @!p0 [sflag:s8], $0x0  }
0x24: {  	s3 =	sadd.s32 $0x88, s3;
	s6 =	simm.s32 @!p1 $0x1082;
	[sflag:s4] =	ssyncset.s32 $0xFFFFF086  }
0x25: {  	[simem:s6], [sflag:s4] =	dma.local [hbm:s3], $0xF7A  }
0x26: {  	[smem:$0x3FA0] =	sst s1;
	(tag) =	ssettag s2;
	_ =	strace s9  }
0x27: {  	s1 =	sld [smem:$0x3FB0]  }
0x28: {  	s2 =	sld [smem:$0x3FB1]  }
0x29: {  	s4 =	sld [smem:$0x3FB3]  }
0x2a: {  	p0 =	seq.s32 s5, $0x0;
	s5 =	sld [smem:$0x3FB4]  }
0x2b: {  	s6 =	sld [smem:$0x3FB5]  }
0x2c: {  	s7 =	sld [smem:$0x3FB6]  }
0x2d: {  	s3 =	simm.s32 $0x108;
	s8 =	sld [smem:$0x3FB7]  }
0x2e: {  	s3 =	simm.s32 @!p0 $0x1082;
	s9 =	sld [smem:$0x3FB8]  }
0x2f: {  	lr =	sadd.s32 s0, s3;
	s0 =	sld [smem:$0x3FAF]  }
0x30: {  	s3 =	sld [smem:$0x3FB2]  }
0x31: {  	[smem:$0x3FBB] =	sst s10  }
0x32: {  	s10 =	sld [smem:$0x3FB9];
	_ =	sdelay $0x3  }
0x33: {  	p0 =	seq.s32 s10, $0x1;
	s10 =	sld [smem:$0x3FBB];
	_ =	sdelay $0x3  }
0x34: {  	[smem:$0x3FBB] =	sst s10  }
0x35: {  	s10 =	sld [smem:$0x3FBA];
	_ =	sdelay $0x3  }
0x36: {  	p1 =	seq.s32 s10, $0x1;
	s10 =	sld [smem:$0x3FBB];
	_ =	sdelay $0x3  }
0x37: {  	[smem:$0x3FBB] =	sst s10  }
0x38: {  	s10 =	sld [smem:$0x3FBC]  }
0x39: {  	_ = 	snop;
	(pc) =	sbr.ind lr, $3  }
0x3a: {  	_ = 	snop  }
0x3b: {  	_ = 	snop  }
0x3c: {  	p2 =	seq.s32 s10, $0x1;
	s10 =	sld [smem:$0x3FBB]  }
0x3d: {  	_ =	shalt  }
0x3e: {  	_ =	shalt  }
0x3f: {  	_ =	shalt  }
0x40: {  	_ =	shalt  }
0x41: {  	_ =	shalt  }
0x42: {  	_ =	shalt  }
0x43: {  	_ =	shalt  }
0x44: {  	_ =	shalt  }
0x45: {  	_ =	shalt  }
0x46: {  	_ =	shalt  }
0x47: {  	_ =	shalt  }
0x48: {  	_ =	shalt  }
0x49: {  	_ =	shalt  }
0x4a: {  	_ =	shalt  }
0x4b: {  	_ =	shalt  }
0x4c: {  	_ =	shalt  }
0x4d: {  	_ =	shalt  }
0x4e: {  	_ =	shalt  }
0x4f: {  	_ =	shalt  }
0x50: {  	_ =	shalt  }
0x51: {  	_ =	shalt  }
0x52: {  	_ =	shalt  }
0x53: {  	_ =	shalt  }
0x54: {  	_ =	shalt  }
0x55: {  	_ =	shalt  }
0x56: {  	_ =	shalt  }
0x57: {  	_ =	shalt  }
0x58: {  	_ =	shalt  }
0x59: {  	_ =	shalt  }
0x5a: {  	_ =	shalt  }
0x5b: {  	_ =	shalt  }
0x5c: {  	_ =	shalt  }
0x5d: {  	_ =	shalt  }
0x5e: {  	_ =	shalt  }
0x5f: {  	_ =	shalt  }
0x60: {  	_ =	shalt  }
0x61: {  	_ =	shalt  }
0x62: {  	_ =	shalt  }
0x63: {  	_ =	shalt  }
0x64: {  	_ =	shalt  }
0x65: {  	_ =	shalt  }
0x66: {  	_ =	shalt  }
0x67: {  	_ =	shalt  }
0x68: {  	_ =	shalt  }
0x69: {  	_ =	shalt  }
0x6a: {  	_ =	shalt  }
0x6b: {  	_ =	shalt  }
0x6c: {  	_ =	shalt  }
0x6d: {  	_ =	shalt  }
0x6e: {  	_ =	shalt  }
0x6f: {  	_ =	shalt  }
0x70: {  	_ =	shalt  }
0x71: {  	_ =	shalt  }
0x72: {  	_ =	shalt  }
0x73: {  	_ =	shalt  }
0x74: {  	_ =	shalt  }
0x75: {  	_ =	shalt  }
0x76: {  	_ =	shalt  }
0x77: {  	_ =	shalt  }
0x78: {  	_ =	shalt  }
0x79: {  	_ =	shalt  }
0x7a: {  	_ =	shalt  }
0x7b: {  	_ =	shalt  }
0x7c: {  	_ =	shalt  }
0x7d: {  	_ =	shalt  }
0x7e: {  	_ =	shalt  }
0x7f: {  	_ =	shalt  }
0x80: {  	_ =	shalt  }
0x81: {  	_ =	shalt  }
0x82: {  	_ =	shalt  }
0x83: {  	_ =	shalt  }
0x84: {  	_ =	shalt  }
0x85: {  	_ =	shalt  }
0x86: {  	_ =	shalt  }
0x87: {  	_ =	shalt  }
.Lfunc_end0:
.L_simem_size_0:
called_computation_lowered:
.L_overlay_start_0:
0x88: {  	s0 =	sld [smem:$0x3FD9]  }
0x89: {  	s1 =	sld [smem:$0x3FFE];
	_ =	sdelay $0x3  }
0x8a: {  	s0 =	sadd.s32 s1, s0  }
0x8b: {  	[smem:$0x3FC7] =	sst s0  }
0x8c: {  	_ = 	snop  }
0x8d: {  	s0 =	sld [smem:$0x3FC9]  }
0x8e: {  	s16 =	sld [smem:$0x3FD0];
	(tm) =	ssettm $0x1  }
0x8f: {  	s2 =	sld [smem:$0x3FFB];
	_ =	sdelay $0x3  }
0x90: {  	_ =	strace s2  }
0x91: {  	s2 =	sld [smem:$0x3FFC];
	_ =	sdelay $0x3  }
0x92: {  	_ =	strace s2  }
0x93: {  	s2 =	sld [smem:$0x3FFD];
	_ =	sdelay $0x3  }
0x94: {  	_ =	strace s2  }
0x95: {  	_ =	strace $0x8FFFFFFF  }
0x96: {  	s17 =	sld [smem:$0x3FDB];
	_ =	sdelay $0x1  }
0x97: {  	s3 =	simm.s32 $_scs_section_size  }
0x98: {  	s4 =	simm.s32 $_size__tile_overlayer_lowered;
	s5 =	simm.s32 $_tile_overlayer_lowered  }
0x99: {  	s20 =	simm.s32 $0x1BFF;
	s19 =	sshll.u32 s5, $0x1;
	s2 =	sadd.s32 s3, s17  }
0x9a: {  	s6 =	simm.s32 $0x0;
	s18 =	sshll.u32 s4, $0x1;
	s4 =	sadd.s32 s19, s2  }
0x9b: {  	[timem:s6], [sflag:s20] =	dma.local [hbm:s4], s18  }
0x9c: {  	_ =	swait.ge [sflag:s20], s18  }
0x9d: {  	s3 =	ssub.s32 $0x0, s18;
	[sflag:s20] =	ssyncset.done $0x0  }
0x9e: {  	[sflag:s20] =	ssyncadd.s32 s3;
	_ =	sdelay $0x1  }
0x9f: {  	s21 =	simm.s32 $0x1B8B  }
0xa0: {  	_ =	swait.ge [sflag:s21], $0x1  }
0xa1: {  	[sflag:s21] =	ssyncset.done $0x0  }
0xa2: {  	s23 =	simm.s32 $0x1B8E;
	s22 =	sld [smem:$0x3FFE];
	[sflag:s21] =	ssyncadd.s32 $0xFFFFFFFF  }
0xa3: {  	s24 =	simm.s32 $execute0_lowered;
	[smem:$0x3FD2] =	sst s23  }
0xa4: {  	s4 =	sshll.u32 s24, $0x1;
	_ =	strace $0x80000046;
	[dreg:$0x1] =	wrdreg $0xFFFFFFFF  }
0xa5: {  	s25 =	simm.s32 $_size_execute0_lowered;
	s2 =	sadd.s32 s2, s4;
	[dreg:$0x0] =	wrdreg $0x0  }
0xa6: {  	s4 =	sshll.u32 s25, $0x1;
	[dreg:$0x2] =	wrdreg s2  }
0xa7: {  	[dreg:$0x3] =	wrdreg s4  }
0xa8: {  	[dreg:$0x4] =	wrdreg $0xC0  }
0xa9: {  	_ =	task [dreg:s6], $0x5FFFF  }
0xaa: {  	[dreg:$0x1] =	wrdreg $0xFFFFFFFF  }
0xab: {  	[dreg:$0x0] =	wrdreg $0x60  }
0xac: {  	[dreg:$0x2] =	wrdreg s0  }
0xad: {  	[dreg:$0x3] =	wrdreg s22  }
0xae: {  	[dreg:$0x4] =	wrdreg s16  }
0xaf: {  	[dreg:$0x5] =	wrdreg $0x9  }
0xb0: {  	_ =	task.clear_ibuf [dreg:s6], $0x6FFFF;
	_ =	strace $0x90000046  }
0xb1: {  	s26 =	simm.s32 $0x9;
	_ =	strace $0x80000048  }
0xb2: {  	_ =	swait.ge [sflag:s26], $0x1  }
0xb3: {  	[sflag:s26] =	ssyncadd.s32 $0xFFFFFFFF  }
0xb4: {  	_ =	strace $0x90000048  }
0xb5: {  	_ =	sfence  }
0xb6: {  	s28 =	sld [smem:$0x0];
	_ =	sdelay $0x1  }
0xb7: {  	s29 =	srdreg.scid  }
0xb8: {  	s30 =	sshll.u32 s29, $0xD;
	s31 =	sshrl.u32 s29, $0x2  }
0xb9: {  	s1 =	sand.u32 $0x1, s29;
	s2 =	sand.u32 $0x4000, s30;
	s0 =	sadd.s32 s31, s28  }
0xba: {  	s1 =	sor.u32 s2, s1;
	s0 =	sshll.u32 s0, $0x11  }
0xbb: {  	s0 =	sor.u32 s0, s1  }
0xbc: {  	s0 =	sadd.s32 $0x8F2B, s0  }
0xbd: {  	[sflag:s0] =	ssyncadd.remote.s32 $0x1  }
0xbe: {  	_ =	sfence.sel $0xFFFF  }
0xbf: {  	[dreg:$0x0] =	wrdreg $0xFFFFFFFF;
	(pc) =	sbr.abs _section_cstart, $3  }
0xc0: {  	[dreg:$0x1] =	wrdreg $0xFFFFFFFF  }
0xc1: {  	_ =	task.clear_ibuf [dreg:s6], $0x2FFFF;
	_ =	strace $0x9FFFFFFF  }
0xc2: {  	(tm) =	ssettm $0x7FFFFFFF  }
0xc3: {  	_ =	shalt  }
tec
execute0_lowered:
.L_overlay_start_1:
0x0: {  	(tag) =	ssettag $0x1  }
0x1: {  	s5 =	rddreg [dreg:$0x0]  }
0x2: {  	s3 =	rddreg [dreg:$0x1]  }
0x3: {  	s2 =	rddreg [dreg:$0x2];
	s1 =	stileid.u32  }
0x4: {  	s0 =	rddreg [dreg:$0x3];
	s4 =	simm.s32 $0x0;
	s6 =	sshll.u32 s1, $0x6  }
0x5: {  	[smem:$0x7FF] =	sst s4;
	s3 =	sadd.s32 s6, s3  }
0x6: {  	s29 =	simm.s32 $0x3;
	_ =	strace $0x80000047;
	s3 =	sadd.s32 $0x400, s3  }
0x7: {  	[tilespmem:s4], [sflag:$0x3] =	stream.linear.gather [hbm4b:s3+s4], $0x200, $0x38;
	[tilespmem:$0x8200] =	vst v63  }
0x8: {  	_ =	swait.ge [sflag:s29], $0x200  }
0x9: {  	[sflag:s29] =	ssyncset.done $0x0  }
0xa: {  	[sflag:s29] =	ssyncadd.s32 $0xFFFFFE00  }
0xb: {  	v0 =	vld.msk [tilespmem:$0x0], $0xf;
	_ =	sdelay $0x4  }
0xc: {  	v1 =	vshll.u32 v0, $0x4  }
0xd: {  	v2 =	vlaneseq.u32;
	v0 =	vand.u32 $0x7, v0;
	v1 =	vand.u32 $0xFFFFFF80, v1  }
0xe: {  	v61 =	vand.u32 $0x3, v2;
	v2 =	vshrl.u32 v2, $0x2;
	v0 =	vor.u32 v0, v1  }
0xf: {  	v2 =	vmul.u32 $0x8, v2;
	v0 =	vperm.xlane v0, v61;
	_ =	sdelay $0x1  }
0x10: {  	v0 =	vadd.s32 v2, v0;
	_ =	sdelay $0x3  }
0x11: {  	vm0 =	vmmov $0xffff;
	s3 =	simm.s32 $0x200  }
0x12: {  	[tilespmem:s3], [sflag:$0x1] =	stream.indirect_vreg.gather [hbm4b:s5+s4], $0x80, v0, vm0, $0xb8;
	[tilespmem:$0x8200] =	vst v63  }
0x13: {  	s7 =	simm.s32 $0xA00;
	s30 =	sadd.s32 $0x200, s5  }
0x14: {  	[tilespmem:s7], [sflag:$0x1] =	stream.indirect_vreg.gather [hbm4b:s30+s4], $0x80, v0, vm0, $0xb8;
	[tilespmem:$0x8200] =	vst v63  }
0x15: {  	s8 =	simm.s32 $0x1200;
	s31 =	sadd.s32 $0x400, s5  }
0x16: {  	[tilespmem:s8], [sflag:$0x1] =	stream.indirect_vreg.gather [hbm4b:s31+s4], $0x80, v0, vm0, $0xb8;
	[tilespmem:$0x8200] =	vst v63  }
0x17: {  	s9 =	simm.s32 $0x1A00;
	s12 =	sadd.s32 $0x600, s5  }
0x18: {  	[tilespmem:s9], [sflag:$0x1] =	stream.indirect_vreg.gather [hbm4b:s12+s4], $0x80, v0, vm0, $0xb8;
	[tilespmem:$0x8200] =	vst v63  }
0x19: {  	v0 =	vld.msk [tilespmem:$0x80], $0xf;
	_ =	sdelay $0x4  }
0x1a: {  	v3 =	vshll.u32 v0, $0x4  }
0x1b: {  	v0 =	vand.u32 $0x7, v0;
	v3 =	vand.u32 $0xFFFFFF80, v3  }
0x1c: {  	v0 =	vor.u32 v0, v3  }
0x1d: {  	v0 =	vperm.xlane v0, v61;
	_ =	sdelay $0x1  }
0x1e: {  	v0 =	vadd.s32 v2, v0;
	_ =	sdelay $0x3  }
0x1f: {  	s13 =	simm.s32 $0x2200  }
0x20: {  	[tilespmem:s13], [sflag:$0x1] =	stream.indirect_vreg.gather [hbm4b:s5+s4], $0x80, v0, vm0, $0xb8;
	[tilespmem:$0x8200] =	vst v63  }
0x21: {  	s10 =	simm.s32 $0x2A00  }
0x22: {  	[tilespmem:s10], [sflag:$0x1] =	stream.indirect_vreg.gather [hbm4b:s30+s4], $0x80, v0, vm0, $0xb8;
	[tilespmem:$0x8200] =	vst v63  }
0x23: {  	s14 =	simm.s32 $0x3200  }
0x24: {  	[tilespmem:s14], [sflag:$0x1] =	stream.indirect_vreg.gather [hbm4b:s31+s4], $0x80, v0, vm0, $0xb8;
	[tilespmem:$0x8200] =	vst v63  }
0x25: {  	s15 =	simm.s32 $0x3A00  }
0x26: {  	[tilespmem:s15], [sflag:$0x1] =	stream.indirect_vreg.gather [hbm4b:s12+s4], $0x80, v0, vm0, $0xb8;
	[tilespmem:$0x8200] =	vst v63  }
0x27: {  	v0 =	vld.msk [tilespmem:$0x100], $0xf;
	_ =	sdelay $0x4  }
0x28: {  	v62 =	vshll.u32 v0, $0x4  }
0x29: {  	v0 =	vand.u32 $0x7, v0;
	v3 =	vand.u32 $0xFFFFFF80, v62  }
0x2a: {  	v0 =	vor.u32 v0, v3  }
0x2b: {  	v0 =	vperm.xlane v0, v61;
	_ =	sdelay $0x1  }
0x2c: {  	v0 =	vadd.s32 v2, v0;
	_ =	sdelay $0x3  }
0x2d: {  	s16 =	simm.s32 $0x4200  }
0x2e: {  	[tilespmem:s16], [sflag:$0x1] =	stream.indirect_vreg.gather [hbm4b:s5+s4], $0x80, v0, vm0, $0xb8;
	[tilespmem:$0x8200] =	vst v63  }
0x2f: {  	s11 =	simm.s32 $0x4A00  }
0x30: {  	[tilespmem:s11], [sflag:$0x1] =	stream.indirect_vreg.gather [hbm4b:s30+s4], $0x80, v0, vm0, $0xb8;
	[tilespmem:$0x8200] =	vst v63  }
0x31: {  	s17 =	simm.s32 $0x5200  }
0x32: {  	[tilespmem:s17], [sflag:$0x1] =	stream.indirect_vreg.gather [hbm4b:s31+s4], $0x80, v0, vm0, $0xb8;
	[tilespmem:$0x8200] =	vst v63  }
0x33: {  	s18 =	simm.s32 $0x5A00  }
0x34: {  	[tilespmem:s18], [sflag:$0x1] =	stream.indirect_vreg.gather [hbm4b:s12+s4], $0x80, v0, vm0, $0xb8;
	[tilespmem:$0x8200] =	vst v63  }
0x35: {  	v0 =	vld.msk [tilespmem:$0x180], $0xf;
	_ =	sdelay $0x4  }
0x36: {  	v63 =	vshll.u32 v0, $0x4  }
0x37: {  	v0 =	vand.u32 $0x7, v0;
	v3 =	vand.u32 $0xFFFFFF80, v63  }
0x38: {  	v0 =	vor.u32 v0, v3  }
0x39: {  	v0 =	vperm.xlane v0, v61;
	_ =	sdelay $0x1  }
0x3a: {  	v0 =	vadd.s32 v2, v0;
	_ =	sdelay $0x3  }
0x3b: {  	s19 =	simm.s32 $0x6200  }
0x3c: {  	[tilespmem:s19], [sflag:$0x1] =	stream.indirect_vreg.gather [hbm4b:s5+s4], $0x80, v0, vm0, $0xb8;
	[tilespmem:$0x8200] =	vst v63  }
0x3d: {  	s20 =	simm.s32 $0x6A00  }
0x3e: {  	[tilespmem:s20], [sflag:$0x1] =	stream.indirect_vreg.gather [hbm4b:s30+s4], $0x80, v0, vm0, $0xb8;
	[tilespmem:$0x8200] =	vst v63  }
0x3f: {  	s21 =	simm.s32 $0x7200  }
0x40: {  	[tilespmem:s21], [sflag:$0x1] =	stream.indirect_vreg.gather [hbm4b:s31+s4], $0x80, v0, vm0, $0xb8;
	[tilespmem:$0x8200] =	vst v63  }
0x41: {  	s22 =	simm.s32 $0x7A00;
	s23 =	simm.s32 $0x1  }
0x42: {  	[tilespmem:s22], [sflag:$0x1] =	stream.indirect_vreg.gather [hbm4b:s12+s4], $0x80, v0, vm0, $0xb8;
	[tilespmem:$0x8200] =	vst v63  }
0x43: {  	_ =	swait.ge [sflag:s23], $0x2000  }
0x44: {  	s24 =	sshll.u32 s1, $0xC;
	[sflag:s23] =	ssyncset.done $0x0  }
0x45: {  	s26 =	simm.s32 $0x400;
	s25 =	sadd.s32 s2, s24;
	[sflag:s23] =	ssyncadd.s32 $0xFFFFE000  }
0x46: {  	[hbm4b:s25+s3] =	stream.strided.scatter [tilespmem:s3], [sflag:$0x2], $0x2000, s26, s3, $0x38;
	[tilespmem:$0x8200] =	vst v63  }
0x47: {  	_ =	swait.ge [sflag:s23], $0x2000  }
0x48: {  	s28 =	sadd.s32 $0x40, s2;
	[sflag:s23] =	ssyncset.done $0x0  }
0x49: {  	s29 =	sadd.s32 s24, s28;
	[sflag:s23] =	ssyncadd.s32 $0xFFFFE000  }
0x4a: {  	[hbm4b:s29+s3] =	stream.strided.scatter [tilespmem:s13], [sflag:$0x2], $0x2000, s26, s3, $0x38;
	[tilespmem:$0x8200] =	vst v63  }
0x4b: {  	_ =	swait.ge [sflag:s23], $0x2000  }
0x4c: {  	s5 =	sor.u32 $0x800, s24;
	[sflag:s23] =	ssyncset.done $0x0  }
0x4d: {  	s2 =	sadd.s32 s2, s5;
	[sflag:s23] =	ssyncadd.s32 $0xFFFFE000  }
0x4e: {  	[hbm4b:s2+s3] =	stream.strided.scatter [tilespmem:s16], [sflag:$0x2], $0x2000, s26, s3, $0x38;
	[tilespmem:$0x8200] =	vst v63  }
0x4f: {  	_ =	swait.ge [sflag:s23], $0x2000  }
0x50: {  	[sflag:s23] =	ssyncset.done $0x0  }
0x51: {  	s30 =	sadd.s32 s5, s28;
	s31 =	simm.s32 $0x2;
	[sflag:s23] =	ssyncadd.s32 $0xFFFFE000  }
0x52: {  	[hbm4b:s30+s3] =	stream.strided.scatter [tilespmem:s19], [sflag:$0x2], $0x2000, s26, s3, $0x38;
	[tilespmem:$0x8200] =	vst v63  }
0x53: {  	_ =	swait.ge [sflag:s31], $0x2000  }
0x54: {  	[sflag:s31] =	ssyncset.done $0x0  }
0x55: {  	[sflag:s31] =	ssyncadd.s32 $0xFFFFE000  }
0x56: {  	_ =	swait.ge [sflag:s31], $0x2000  }
0x57: {  	[sflag:s31] =	ssyncset.done $0x0  }
0x58: {  	[sflag:s31] =	ssyncadd.s32 $0xFFFFE000  }
0x59: {  	_ =	swait.ge [sflag:s31], $0x2000  }
0x5a: {  	[sflag:s31] =	ssyncset.done $0x0  }
0x5b: {  	[sflag:s31] =	ssyncadd.s32 $0xFFFFE000  }
0x5c: {  	_ =	swait.ge [sflag:s31], $0x2000  }
0x5d: {  	[sflag:s31] =	ssyncset.done $0x0  }
0x5e: {  	[sflag:s31] =	ssyncadd.s32 $0xFFFFE000  }
0x5f: {  	_ =	sfence.sel $0x180000  }
0x60: {  	[bflag:$0x0] =	sbarrier.arrive $0xFFFF  }
0x61: {  	p0 =	sne.s32 s1, $0x0;
	_ =	strace $0x90000047  }
0x62: {  	s0 =	sadd.s32 @!p0 $0x100000, s0;
	[bflag:$0x2] =	sbarrier.arrive $0xFFFF  }
0x63: {  	[sflag:s0] =	ssyncadd.tile.s32 @!p0 $0x1;
	_ =	shalt  }
.Lfunc_end2:
_tile_overlayer_lowered:
.L_overlay_start_2:
0x64: {  	(tag) =	ssettag $0x2  }
0x65: {  	s0 =	rddreg [dreg:$0x0];
	s2 =	stileid.u32  }
0x66: {  	s1 =	rddreg [dreg:$0x1];
	p0 =	sne.s32 s2, $0x0  }
0x67: {  	s3 =	rddreg [dreg:$0x2];
	[bflag:$0x3] =	sbarrier.arrive $0xFFFF;
	s2 =	simm.s32 @!p0 $0x1C03  }
0x68: {  	[timem:s3], [sflag:s2] =	dma.local @!p0 [hbm:s0], s1  }
0x69: {  	s0 =	simm.s32 @!p0 $0x3  }
0x6a: {  	_ =	swait.ge @!p0 [sflag:s0], s1  }
0x6b: {  	s1 =	ssub.s32 @!p0 $0x0, s1;
	[sflag:s0] =	ssyncset.done @!p0 $0x0  }
0x6c: {  	[sflag:s0] =	ssyncadd.s32 @!p0 s1  }
0x6d: {  	[bflag:$0x3] =	sbarrier.arrive $0xFFFF  }
0x6e: {  	_ =	shalt  }

</sc_bundles>
